<compile_context>
chip_gen: v7x
topology: tpu7x:2x2x1
jax: 0.10.2.dev20260603
libtpu: 0.0.44.dev20260713+nightly
codegen_flags: <defaults>
</compile_context>

<pallas_src>
import math

import jax
import jax.numpy as jnp
from jax import lax
from jax.experimental import pallas as pl

_N_BLOCK = 1000
_E_BLOCK = 8000
_TIME_HALF = 16
_LOG_MAX_POS = math.log(10000.0)


def _node_kernel(h_ref, t_ref, f_ref, atom_ref, w_emb_t_ref, b_emb_ref,
                 w_in_rep_ref, b_in_rep_ref, out_ref):
    bn = h_ref.shape[1]
    hv = h_ref[0]
    tv = t_ref[0].astype(jnp.float32)

    atom_iota = lax.broadcasted_iota(jnp.int32, (bn, 100), 1)
    onehot = (hv == atom_iota).astype(jnp.float32)
    atom_embed = jnp.dot(onehot, atom_ref[...],
                         preferred_element_type=jnp.float32)

    hcat = jnp.concatenate([atom_embed, f_ref[...]], axis=1)
    h_feat = jnp.dot(hcat, w_emb_t_ref[...],
                     preferred_element_type=jnp.float32) + b_emb_ref[...]

    j = lax.broadcasted_iota(jnp.int32, (bn, 2 * _TIME_HALF), 1).astype(jnp.float32)
    is_cos = j >= _TIME_HALF
    jm = jnp.where(is_cos, j - _TIME_HALF, j)
    freq = jnp.exp(jm * (-_LOG_MAX_POS / (_TIME_HALF - 1)))
    arg = tv * freq + jnp.where(is_cos, jnp.float32(math.pi / 2), jnp.float32(0.0))
    t_emb = jnp.sin(arg)

    feat = jnp.concatenate([h_feat, t_emb], axis=1)
    out_ref[...] = jnp.dot(feat, w_in_rep_ref[...],
                           preferred_element_type=jnp.float32) + b_in_rep_ref[...]


def _edge_kernel(attr_ref, table_rep_ref, out_ref):
    be = attr_ref.shape[1]
    av = attr_ref[0]
    iota = lax.broadcasted_iota(jnp.int32, (be, 50), 1)
    onehot = (av == iota).astype(jnp.float32)
    out_ref[...] = jnp.dot(onehot, table_rep_ref[...],
                           preferred_element_type=jnp.float32)


def kernel(diffusion_t, x, h, f, edge_index, edge_attr, batch, atom_table,
           W_emb, b_emb, edge_table, cond_table, W_in, b_in):
    N, FT = f.shape
    E = edge_attr.shape[0]
    T = x.shape[-1]
    HID = W_in.shape[0]
    ED = edge_table.shape[1]

    nb = N // _N_BLOCK
    nbe = E // _E_BLOCK

    w_emb_t = W_emb.T
    w_in_rep = jnp.repeat(W_in.T, T, axis=1)
    b_in_rep = jnp.repeat(b_in, T)[None, :]
    table_rep = jnp.repeat(edge_table, T, axis=1)
    b_emb_row = b_emb[None, :]

    h3 = h.astype(jnp.int32).reshape(nb, _N_BLOCK, 1)
    t3 = diffusion_t.astype(jnp.int32).reshape(nb, _N_BLOCK, 1)
    a3 = edge_attr.astype(jnp.int32).reshape(nbe, _E_BLOCK, 1)

    h2d = pl.pallas_call(
        _node_kernel,
        grid=(nb,),
        in_specs=[
            pl.BlockSpec((1, _N_BLOCK, 1), lambda i: (i, 0, 0)),
            pl.BlockSpec((1, _N_BLOCK, 1), lambda i: (i, 0, 0)),
            pl.BlockSpec((_N_BLOCK, FT), lambda i: (i, 0)),
            pl.BlockSpec(atom_table.shape, lambda i: (0, 0)),
            pl.BlockSpec(w_emb_t.shape, lambda i: (0, 0)),
            pl.BlockSpec(b_emb_row.shape, lambda i: (0, 0)),
            pl.BlockSpec(w_in_rep.shape, lambda i: (0, 0)),
            pl.BlockSpec(b_in_rep.shape, lambda i: (0, 0)),
        ],
        out_specs=pl.BlockSpec((_N_BLOCK, HID * T), lambda i: (i, 0)),
        out_shape=jax.ShapeDtypeStruct((N, HID * T), jnp.float32),
    )(h3, t3, f, atom_table, w_emb_t, b_emb_row, w_in_rep, b_in_rep)

    e2d = pl.pallas_call(
        _edge_kernel,
        grid=(nbe,),
        in_specs=[
            pl.BlockSpec((1, _E_BLOCK, 1), lambda i: (i, 0, 0)),
            pl.BlockSpec(table_rep.shape, lambda i: (0, 0)),
        ],
        out_specs=pl.BlockSpec((_E_BLOCK, ED * T), lambda i: (i, 0)),
        out_shape=jax.ShapeDtypeStruct((E, ED * T), jnp.float32),
    )(a3, table_rep)

    h_out = h2d.reshape(N, HID, T)
    edge_out = e2d.reshape(E, ED, T)
    return (x, h_out, edge_out)

# --- scband reference (transcript-rebuilt; emitter-appended) ---
"""Pipeline reference for scband-eginterpolator-16312285790835 (READ-ONLY COPY).

The authoritative reference and input builder live on the scoring server;
editing this copy changes nothing except your own understanding.
"""

import jax, jax.numpy as jnp
import numpy as np
import math

N = 10000
E = 160000
T = 8
B = 64
NODE_DIM = 128
FT_DIM = 128
EDGE_DIM = 16
HIDDEN_DIM = 128
TIME_EMB_DIM = 32


def get_timestep_embedding(timesteps, embedding_dim, max_positions=10000):
    half_dim = embedding_dim // 2
    emb = math.log(max_positions) / (half_dim - 1)
    emb = jnp.exp(jnp.arange(half_dim, dtype=jnp.float32) * -emb)
    emb = timesteps.astype(jnp.float32)[:, None] * emb[None, :]
    emb = jnp.concatenate([jnp.sin(emb), jnp.cos(emb)], axis=-1)
    return emb


def setup_inputs(seed: int = 0) -> dict:
    key = jax.random.key(seed)
    ks = jax.random.split(key, 12)
    diffusion_t = jax.random.randint(ks[0], (N,), 0, 1000)
    x = jax.random.normal(ks[1], (N, 3, T), dtype=jnp.float32)
    h = jax.random.randint(ks[2], (N,), 0, 100)
    f = jax.random.normal(ks[3], (N, FT_DIM), dtype=jnp.float32)
    edge_index = jax.random.randint(ks[4], (2, E), 0, N)
    edge_attr = jax.random.randint(ks[5], (E,), 0, 50)
    batch = jnp.sort(jax.random.randint(ks[6], (N,), 0, B))
    atom_table = jax.random.normal(ks[7], (100, NODE_DIM), dtype=jnp.float32) * 0.02
    W_emb = jax.random.normal(ks[8], (NODE_DIM, NODE_DIM + FT_DIM), dtype=jnp.float32) * 0.05
    b_emb = jnp.zeros((NODE_DIM,), dtype=jnp.float32)
    edge_table = jax.random.normal(ks[9], (50, EDGE_DIM), dtype=jnp.float32) * 0.02
    cond_table = jax.random.normal(ks[10], (1, HIDDEN_DIM), dtype=jnp.float32) * 0.02
    W_in = jax.random.normal(ks[11], (HIDDEN_DIM, NODE_DIM + TIME_EMB_DIM), dtype=jnp.float32) * 0.05
    b_in = jnp.zeros((HIDDEN_DIM,), dtype=jnp.float32)
    return {
        'diffusion_t': diffusion_t, 'x': x, 'h': h, 'f': f,
        'edge_index': edge_index, 'edge_attr': edge_attr, 'batch': batch,
        'atom_table': atom_table, 'W_emb': W_emb, 'b_emb': b_emb,
        'edge_table': edge_table, 'cond_table': cond_table,
        'W_in': W_in, 'b_in': b_in,
    }


def reference(diffusion_t, x, h, f, edge_index, edge_attr, batch,
              atom_table, W_emb, b_emb, edge_table, cond_table, W_in, b_in):
    # --- Embedding module ---
    atom_embed = jnp.take(atom_table, h, axis=0)                 # [N, node_dim] gather
    h_feat = jnp.concatenate([atom_embed, f], axis=-1) @ W_emb.T + b_emb  # [N, node_dim]
    edge_embed = jnp.take(edge_table, edge_attr, axis=0)         # [E, edge_dim] gather

    Tc = x.shape[-1]
    BN = x.shape[0]
    # conditioning == 'none': cond_mask = zeros(Tc), c = 0, T == Tc
    cond_idx = jnp.zeros((BN, Tc), dtype=jnp.int32)
    cond_emb = jnp.take(cond_table, cond_idx, axis=0)            # [N, T, hidden]
    cond_emb = jnp.transpose(cond_emb, (0, 2, 1))                # [N, hidden, T] (unused in shown prefix)
    # x[:, :, ~cond_mask] = x_input with all-False mask -> x unchanged
    x_out = x

    t_emb = get_timestep_embedding(diffusion_t, TIME_EMB_DIM)    # [N, time_emb_dim]
    t_emb = jnp.repeat(t_emb[:, :, None], Tc, axis=2)            # [N, time_emb_dim, T]
    hT = jnp.repeat(h_feat[:, :, None], Tc, axis=2)              # [N, node_dim, T]
    hcat = jnp.concatenate([hT, t_emb], axis=1)                  # [N, node_dim+time_emb_dim, T]
    # merge_time_dim -> linear -> separate_time_dim
    merged = jnp.transpose(hcat, (0, 2, 1)).reshape(BN * Tc, hcat.shape[1])
    h_out = merged @ W_in.T + b_in                               # [N*T, hidden]
    h_out = jnp.transpose(h_out.reshape(BN, Tc, HIDDEN_DIM), (0, 2, 1))  # [N, hidden, T]

    edge_out = jnp.repeat(edge_embed[:, :, None], Tc, axis=2)    # [E, edge_dim, T]
    return (x_out, h_out, edge_out)

if __name__ == "__main__":
    import jax
    _d = setup_inputs()
    print(jax.jit(kernel)(*tuple(_d.values())))

</pallas_src>

<mosaic_0001>
module attributes {stable_mosaic.version = 14 : i64} {
  func.func @_node_kernel(%arg0: i32, %arg1: memref<1x1000x1xi32, #tpu.memory_space<vmem>>, %arg2: memref<1x1000x1xi32, #tpu.memory_space<vmem>>, %arg3: memref<1000x128xf32, #tpu.memory_space<vmem>>, %arg4: memref<100x128xf32, #tpu.memory_space<vmem>>, %arg5: memref<256x128xf32, #tpu.memory_space<vmem>>, %arg6: memref<1x128xf32, #tpu.memory_space<vmem>>, %arg7: memref<160x1024xf32, #tpu.memory_space<vmem>>, %arg8: memref<1x1024xf32, #tpu.memory_space<vmem>>, %arg9: memref<1000x1024xf32, #tpu.memory_space<vmem>>) attributes {dimension_semantics = [#tpu.dimension_semantics<arbitrary>], iteration_bounds = array<i64: 10>, scalar_prefetch = 0 : i64, scratch_operands = 0 : i64, tpu.core_type = #tpu.core_type<tc>, window_params = [{transform_indices = @transform_0, window_bounds = array<i64: 1, 1000, 1>}, {transform_indices = @transform_1, window_bounds = array<i64: 1, 1000, 1>}, {transform_indices = @transform_2, window_bounds = array<i64: 1000, 128>}, {pipeline_mode = #tpu.pipeline_mode<synchronous>, transform_indices = @transform_3, window_bounds = array<i64: 100, 128>}, {pipeline_mode = #tpu.pipeline_mode<synchronous>, transform_indices = @transform_4, window_bounds = array<i64: 256, 128>}, {pipeline_mode = #tpu.pipeline_mode<synchronous>, transform_indices = @transform_5, window_bounds = array<i64: 1, 128>}, {pipeline_mode = #tpu.pipeline_mode<synchronous>, transform_indices = @transform_6, window_bounds = array<i64: 160, 1024>}, {pipeline_mode = #tpu.pipeline_mode<synchronous>, transform_indices = @transform_7, window_bounds = array<i64: 1, 1024>}, {transform_indices = @transform_8, window_bounds = array<i64: 1000, 1024>}]} {
    %get3A = arith.constant 0 : index
    %get3A_0 = arith.constant 0 : index
    %get3A_1 = arith.constant 0 : index
    %get3A_2 = vector.load %arg1[%get3A, %get3A_0, %get3A_1] : memref<1x1000x1xi32, #tpu.memory_space<vmem>>, vector<1x1000x1xi32>
    %get3A_3 = vector.shape_cast %get3A_2 : vector<1x1000x1xi32> to vector<1000x1xi32>
    %get3A_4 = arith.constant 0 : index
    %get3A_5 = arith.constant 0 : index
    %get3A_6 = arith.constant 0 : index
    %get3A_7 = vector.load %arg2[%get3A_4, %get3A_5, %get3A_6] : memref<1x1000x1xi32, #tpu.memory_space<vmem>>, vector<1x1000x1xi32>
    %get3A_8 = vector.shape_cast %get3A_7 : vector<1x1000x1xi32> to vector<1000x1xi32>
    %convert_element_type3A = arith.sitofp %get3A_8 : vector<1000x1xi32> to vector<1000x1xf32>
    %iota3A = tpu.iota {dimensions = array<i32: 1>} : vector<1000x100xi32>
    %eq3A = vector.broadcast %get3A_3 : vector<1000x1xi32> to vector<1000x100xi32>
    %eq3A_9 = arith.cmpi eq, %eq3A, %iota3A : vector<1000x100xi32>
    %convert_element_type3A_10 = arith.extui %eq3A_9 : vector<1000x100xi1> to vector<1000x100xi32>
    %convert_element_type3A_11 = arith.sitofp %convert_element_type3A_10 : vector<1000x100xi32> to vector<1000x100xf32>
    %get3A_12 = arith.constant 0 : index
    %get3A_13 = arith.constant 0 : index
    %get3A_14 = vector.load %arg4[%get3A_12, %get3A_13] : memref<100x128xf32, #tpu.memory_space<vmem>>, vector<100x128xf32>
    %dot_general3A = arith.constant dense<0.000000e+00> : vector<1000x128xf32>
    %dot_general3A_15 = tpu.matmul %convert_element_type3A_11, %get3A_14, %dot_general3A {dimension_numbers = #tpu.dot_dimension_numbers<[1], [0], [0], [1], [0, 0, 1, 1], [], []>, transpose_lhs_hint = false} : vector<1000x100xf32>, vector<100x128xf32>, vector<1000x128xf32> -> vector<1000x128xf32>
    %get3A_16 = arith.constant 0 : index
    %get3A_17 = arith.constant 0 : index
    %get3A_18 = vector.load %arg3[%get3A_16, %get3A_17] : memref<1000x128xf32, #tpu.memory_space<vmem>>, vector<1000x128xf32>
    %concatenate3A = tpu.concatenate %dot_general3A_15, %get3A_18 in 1 : vector<1000x128xf32>, vector<1000x128xf32> -> vector<1000x256xf32>
    %get3A_19 = arith.constant 0 : index
    %get3A_20 = arith.constant 0 : index
    %get3A_21 = vector.load %arg5[%get3A_19, %get3A_20] : memref<256x128xf32, #tpu.memory_space<vmem>>, vector<256x128xf32>
    %dot_general3A_22 = arith.constant dense<0.000000e+00> : vector<1000x128xf32>
    %dot_general3A_23 = tpu.matmul %concatenate3A, %get3A_21, %dot_general3A_22 {dimension_numbers = #tpu.dot_dimension_numbers<[1], [0], [0], [1], [0, 0, 1, 1], [], []>, transpose_lhs_hint = false} : vector<1000x256xf32>, vector<256x128xf32>, vector<1000x128xf32> -> vector<1000x128xf32>
    %get3A_24 = arith.constant 0 : index
    %get3A_25 = arith.constant 0 : index
    %get3A_26 = vector.load %arg6[%get3A_24, %get3A_25] : memref<1x128xf32, #tpu.memory_space<vmem>>, vector<1x128xf32>
    %add3A = vector.broadcast %get3A_26 : vector<1x128xf32> to vector<1000x128xf32>
    %add3A_27 = arith.addf %dot_general3A_23, %add3A : vector<1000x128xf32>
    %iota3A_28 = tpu.iota {dimensions = array<i32: 1>} : vector<1000x32xi32>
    %convert_element_type3A_29 = arith.sitofp %iota3A_28 : vector<1000x32xi32> to vector<1000x32xf32>
    %ge3A = arith.constant 1.600000e+01 : f32
    %ge3A_30 = vector.broadcast %ge3A : f32 to vector<1000x32xf32>
    %ge3A_31 = arith.cmpf oge, %convert_element_type3A_29, %ge3A_30 : vector<1000x32xf32>
    %sub3A = arith.constant 1.600000e+01 : f32
    %sub3A_32 = vector.broadcast %sub3A : f32 to vector<1000x32xf32>
    %sub3A_33 = arith.subf %convert_element_type3A_29, %sub3A_32 : vector<1000x32xf32>
    %select_n3A = arith.select %ge3A_31, %sub3A_33, %convert_element_type3A_29 : vector<1000x32xi1>, vector<1000x32xf32>
    %mul3A = arith.constant -0.614022672 : f32
    %mul3A_34 = vector.broadcast %mul3A : f32 to vector<1000x32xf32>
    %mul3A_35 = arith.mulf %select_n3A, %mul3A_34 : vector<1000x32xf32>
    %exp3A = math.exp %mul3A_35 : vector<1000x32xf32>
    %mul3A_36 = vector.broadcast %convert_element_type3A : vector<1000x1xf32> to vector<1000x32xf32>
    %mul3A_37 = arith.mulf %mul3A_36, %exp3A : vector<1000x32xf32>
    %jit3A = arith.constant 1.57079637 : f32
    %jit3A_38 = arith.constant 0.000000e+00 : f32
    %broadcast_in_dim3A = vector.broadcast %jit3A : f32 to vector<1000x32xf32>
    %broadcast_in_dim3A_39 = vector.broadcast %jit3A_38 : f32 to vector<1000x32xf32>
    %select_n3A_40 = arith.select %ge3A_31, %broadcast_in_dim3A, %broadcast_in_dim3A_39 : vector<1000x32xi1>, vector<1000x32xf32>
    %add3A_41 = arith.addf %mul3A_37, %select_n3A_40 : vector<1000x32xf32>
    %sin3A = math.sin %add3A_41 : vector<1000x32xf32>
    %concatenate3A_42 = tpu.concatenate %add3A_27, %sin3A in 1 : vector<1000x128xf32>, vector<1000x32xf32> -> vector<1000x160xf32>
    %get3A_43 = arith.constant 0 : index
    %get3A_44 = arith.constant 0 : index
    %get3A_45 = vector.load %arg7[%get3A_43, %get3A_44] : memref<160x1024xf32, #tpu.memory_space<vmem>>, vector<160x1024xf32>
    %dot_general3A_46 = arith.constant dense<0.000000e+00> : vector<1000x1024xf32>
    %dot_general3A_47 = tpu.matmul %concatenate3A_42, %get3A_45, %dot_general3A_46 {dimension_numbers = #tpu.dot_dimension_numbers<[1], [0], [0], [1], [0, 0, 1, 1], [], []>, transpose_lhs_hint = false} : vector<1000x160xf32>, vector<160x1024xf32>, vector<1000x1024xf32> -> vector<1000x1024xf32>
    %get3A_48 = arith.constant 0 : index
    %get3A_49 = arith.constant 0 : index
    %get3A_50 = vector.load %arg8[%get3A_48, %get3A_49] : memref<1x1024xf32, #tpu.memory_space<vmem>>, vector<1x1024xf32>
    %add3A_51 = vector.broadcast %get3A_50 : vector<1x1024xf32> to vector<1000x1024xf32>
    %add3A_52 = arith.addf %dot_general3A_47, %add3A_51 : vector<1000x1024xf32>
    %swap3A = arith.constant 0 : index
    %swap3A_53 = arith.constant 0 : index
    %swap3A_54 = vector.load %arg9[%swap3A, %swap3A_53] : memref<1000x1024xf32, #tpu.memory_space<vmem>>, vector<1000x1024xf32>
    tpu.vector_store %arg9[%swap3A, %swap3A_53], %add3A_52 {strides = array<i32>} : memref<1000x1024xf32, #tpu.memory_space<vmem>>, vector<1000x1024xf32>,
    return
  }
  func.func @transform_0(%arg0: i32) -> (i32, i32, i32) {
    %c0_i32 = arith.constant 0 : i32
    %c0_i32_0 = arith.constant 0 : i32
    %c0_i32_1 = arith.constant 0 : i32
    return %arg0, %c0_i32, %c0_i32_0 : i32, i32, i32
  }
  func.func @transform_1(%arg0: i32) -> (i32, i32, i32) {
    %c0_i32 = arith.constant 0 : i32
    %c0_i32_0 = arith.constant 0 : i32
    %c0_i32_1 = arith.constant 0 : i32
    return %arg0, %c0_i32, %c0_i32_0 : i32, i32, i32
  }
  func.func @transform_2(%arg0: i32) -> (i32, i32) {
    %c0_i32 = arith.constant 0 : i32
    %c0_i32_0 = arith.constant 0 : i32
    return %arg0, %c0_i32 : i32, i32
  }
  func.func @transform_3(%arg0: i32) -> (i32, i32) {
    %c0_i32 = arith.constant 0 : i32
    %c0_i32_0 = arith.constant 0 : i32
    %c0_i32_1 = arith.constant 0 : i32
    return %c0_i32, %c0_i32_0 : i32, i32
  }
  func.func @transform_4(%arg0: i32) -> (i32, i32) {
    %c0_i32 = arith.constant 0 : i32
    %c0_i32_0 = arith.constant 0 : i32
    %c0_i32_1 = arith.constant 0 : i32
    return %c0_i32, %c0_i32_0 : i32, i32
  }
  func.func @transform_5(%arg0: i32) -> (i32, i32) {
    %c0_i32 = arith.constant 0 : i32
    %c0_i32_0 = arith.constant 0 : i32
    %c0_i32_1 = arith.constant 0 : i32
    return %c0_i32, %c0_i32_0 : i32, i32
  }
  func.func @transform_6(%arg0: i32) -> (i32, i32) {
    %c0_i32 = arith.constant 0 : i32
    %c0_i32_0 = arith.constant 0 : i32
    %c0_i32_1 = arith.constant 0 : i32
    return %c0_i32, %c0_i32_0 : i32, i32
  }
  func.func @transform_7(%arg0: i32) -> (i32, i32) {
    %c0_i32 = arith.constant 0 : i32
    %c0_i32_0 = arith.constant 0 : i32
    %c0_i32_1 = arith.constant 0 : i32
    return %c0_i32, %c0_i32_0 : i32, i32
  }
  func.func @transform_8(%arg0: i32) -> (i32, i32) {
    %c0_i32 = arith.constant 0 : i32
    %c0_i32_0 = arith.constant 0 : i32
    return %arg0, %c0_i32 : i32, i32
  }
}

module attributes {stable_mosaic.version = 14 : i64} {
  func.func @_edge_kernel(%arg0: i32, %arg1: memref<1x8000x1xi32, #tpu.memory_space<vmem>>, %arg2: memref<50x128xf32, #tpu.memory_space<vmem>>, %arg3: memref<8000x128xf32, #tpu.memory_space<vmem>>) attributes {dimension_semantics = [#tpu.dimension_semantics<arbitrary>], iteration_bounds = array<i64: 20>, scalar_prefetch = 0 : i64, scratch_operands = 0 : i64, tpu.core_type = #tpu.core_type<tc>, window_params = [{transform_indices = @transform_0, window_bounds = array<i64: 1, 8000, 1>}, {pipeline_mode = #tpu.pipeline_mode<synchronous>, transform_indices = @transform_1, window_bounds = array<i64: 50, 128>}, {transform_indices = @transform_2, window_bounds = array<i64: 8000, 128>}]} {
    %get3A = arith.constant 0 : index
    %get3A_0 = arith.constant 0 : index
    %get3A_1 = arith.constant 0 : index
    %get3A_2 = vector.load %arg1[%get3A, %get3A_0, %get3A_1] : memref<1x8000x1xi32, #tpu.memory_space<vmem>>, vector<1x8000x1xi32>
    %get3A_3 = vector.shape_cast %get3A_2 : vector<1x8000x1xi32> to vector<8000x1xi32>
    %iota3A = tpu.iota {dimensions = array<i32: 1>} : vector<8000x50xi32>
    %eq3A = vector.broadcast %get3A_3 : vector<8000x1xi32> to vector<8000x50xi32>
    %eq3A_4 = arith.cmpi eq, %eq3A, %iota3A : vector<8000x50xi32>
    %convert_element_type3A = arith.extui %eq3A_4 : vector<8000x50xi1> to vector<8000x50xi32>
    %convert_element_type3A_5 = arith.sitofp %convert_element_type3A : vector<8000x50xi32> to vector<8000x50xf32>
    %get3A_6 = arith.constant 0 : index
    %get3A_7 = arith.constant 0 : index
    %get3A_8 = vector.load %arg2[%get3A_6, %get3A_7] : memref<50x128xf32, #tpu.memory_space<vmem>>, vector<50x128xf32>
    %dot_general3A = arith.constant dense<0.000000e+00> : vector<8000x128xf32>
    %dot_general3A_9 = tpu.matmul %convert_element_type3A_5, %get3A_8, %dot_general3A {dimension_numbers = #tpu.dot_dimension_numbers<[1], [0], [0], [1], [0, 0, 1, 1], [], []>, transpose_lhs_hint = false} : vector<8000x50xf32>, vector<50x128xf32>, vector<8000x128xf32> -> vector<8000x128xf32>
    %swap3A = arith.constant 0 : index
    %swap3A_10 = arith.constant 0 : index
    %swap3A_11 = vector.load %arg3[%swap3A, %swap3A_10] : memref<8000x128xf32, #tpu.memory_space<vmem>>, vector<8000x128xf32>
    tpu.vector_store %arg3[%swap3A, %swap3A_10], %dot_general3A_9 {strides = array<i32>} : memref<8000x128xf32, #tpu.memory_space<vmem>>, vector<8000x128xf32>,
    return
  }
  func.func @transform_0(%arg0: i32) -> (i32, i32, i32) {
    %c0_i32 = arith.constant 0 : i32
    %c0_i32_0 = arith.constant 0 : i32
    %c0_i32_1 = arith.constant 0 : i32
    return %arg0, %c0_i32, %c0_i32_0 : i32, i32, i32
  }
  func.func @transform_1(%arg0: i32) -> (i32, i32) {
    %c0_i32 = arith.constant 0 : i32
    %c0_i32_0 = arith.constant 0 : i32
    %c0_i32_1 = arith.constant 0 : i32
    return %c0_i32, %c0_i32_0 : i32, i32
  }
  func.func @transform_2(%arg0: i32) -> (i32, i32) {
    %c0_i32 = arith.constant 0 : i32
    %c0_i32_0 = arith.constant 0 : i32
    return %arg0, %c0_i32 : i32, i32
  }
}

</mosaic_0001>

<sc_bundles>
// kernel: sparse-core-data-format-call.cloned.1.call-start
scs
called_computation_lowered:
.L_overlay_start_0:
0x0: {  	s2 =	sld [smem:$0x3FD9]  }
0x1: {  	s3 =	sld [smem:$0x3FFE];
	_ =	sdelay $0x1  }
0x2: {  	s1 =	srdreg.scid  }
0x3: {  	s0 =	sand.u32 $0x1, s1  }
0x4: {  	s15 =	sshll.u32 s0, $0xA;
	s2 =	sadd.s32 s3, s2  }
0x5: {  	s2 =	sadd.s32 s2, s15  }
0x6: {  	[smem:$0x3FBD] =	sst s2  }
0x7: {  	_ = 	snop  }
0x8: {  	s2 =	sld [smem:$0x3FD0];
	_ =	sdelay $0x2  }
0x9: {  	s16 =	simm.s32 $0xA;
	s4 =	simm.s32 $0x10  }
0xa: {  	[smem:s4], [sflag:s16] =	dma.local [hbm:s2], $0x1  }
0xb: {  	_ =	swait.eq [sflag:s16], $0x1  }
0xc: {  	[sflag:s16] =	ssyncset.done $0x0  }
0xd: {  	[sflag:s16] =	ssyncadd.s32 $0xFFFFFFFF  }
0xe: {  	s17 =	sld [smem:$0x11];
	(tm) =	ssettm $0x1  }
0xf: {  	s18 =	sld [smem:$0x3FFB];
	_ =	sdelay $0x3  }
0x10: {  	_ =	strace s18  }
0x11: {  	s3 =	sld [smem:$0x3FFC];
	_ =	sdelay $0x3  }
0x12: {  	_ =	strace s3  }
0x13: {  	s3 =	sld [smem:$0x3FFD];
	_ =	sdelay $0x3  }
0x14: {  	_ =	strace s3  }
0x15: {  	_ =	strace $0x8FFFFFFF  }
0x16: {  	s19 =	sld [smem:$0x3FDB];
	_ =	sdelay $0x1  }
0x17: {  	s20 =	simm.s32 $_scs_section_size  }
0x18: {  	s5 =	simm.s32 $_size__tile_overlayer_lowered;
	s6 =	simm.s32 $_tile_overlayer_lowered  }
0x19: {  	s23 =	simm.s32 $0x1BFF;
	s22 =	sshll.u32 s6, $0x1;
	s3 =	sadd.s32 s20, s19  }
0x1a: {  	s7 =	simm.s32 $0x0;
	s21 =	sshll.u32 s5, $0x1;
	s5 =	sadd.s32 s22, s3  }
0x1b: {  	[timem:s7], [sflag:s23] =	dma.local [hbm:s5], s21  }
0x1c: {  	_ =	swait.ge [sflag:s23], s21  }
0x1d: {  	s4 =	ssub.s32 $0x0, s21;
	[sflag:s23] =	ssyncset.done $0x0  }
0x1e: {  	[sflag:s23] =	ssyncadd.s32 s4;
	_ =	sdelay $0x1  }
0x1f: {  	s24 =	simm.s32 $0x1B8B  }
0x20: {  	_ =	swait.ge [sflag:s24], $0x1  }
0x21: {  	[sflag:s24] =	ssyncset.done $0x0  }
0x22: {  	s26 =	simm.s32 $0x1B8E;
	s25 =	sld [smem:$0x3FFE];
	[sflag:s24] =	ssyncadd.s32 $0xFFFFFFFF  }
0x23: {  	s27 =	simm.s32 $execute0_lowered;
	[smem:$0x3FD2] =	sst s26  }
0x24: {  	s5 =	sshll.u32 s27, $0x1;
	_ =	strace $0x80000046;
	[dreg:$0x1] =	wrdreg $0xFFFFFFFF  }
0x25: {  	s28 =	simm.s32 $_size_execute0_lowered;
	s3 =	sadd.s32 s3, s5;
	[dreg:$0x0] =	wrdreg $0x0  }
0x26: {  	s5 =	sshll.u32 s28, $0x1;
	[dreg:$0x2] =	wrdreg s3  }
0x27: {  	[dreg:$0x3] =	wrdreg s5  }
0x28: {  	[dreg:$0x4] =	wrdreg $0xC0  }
0x29: {  	_ =	task [dreg:s7], $0x5FFFF  }
0x2a: {  	[dreg:$0x1] =	wrdreg $0xFFFFFFFF  }
0x2b: {  	[dreg:$0x0] =	wrdreg $0x60  }
0x2c: {  	[dreg:$0x2] =	wrdreg s25  }
0x2d: {  	[dreg:$0x3] =	wrdreg s17  }
0x2e: {  	[dreg:$0x4] =	wrdreg $0x9  }
0x2f: {  	_ =	task.clear_ibuf [dreg:s7], $0x5FFFF;
	_ =	strace $0x90000046  }
0x30: {  	s29 =	simm.s32 $0x9;
	_ =	strace $0x80000048  }
0x31: {  	_ =	swait.ge [sflag:s29], $0x1  }
0x32: {  	[sflag:s29] =	ssyncadd.s32 $0xFFFFFFFF  }
0x33: {  	_ =	strace $0x90000048  }
0x34: {  	_ =	sfence  }
0x35: {  	s30 =	sld [smem:$0x0];
	_ =	sdelay $0x2  }
0x36: {  	s31 =	sshll.u32 s1, $0xD;
	s1 =	sshrl.u32 s1, $0x2  }
0x37: {  	s3 =	sand.u32 $0x4000, s31;
	s1 =	sadd.s32 s1, s30  }
0x38: {  	s0 =	sor.u32 s3, s0;
	s1 =	sshll.u32 s1, $0x11  }
0x39: {  	s0 =	sor.u32 s1, s0  }
0x3a: {  	s0 =	sadd.s32 $0x8F2B, s0  }
0x3b: {  	[sflag:s0] =	ssyncadd.remote.s32 $0x1  }
0x3c: {  	_ =	sfence.sel $0xFFFF  }
0x3d: {  	[dreg:$0x0] =	wrdreg $0xFFFFFFFF;
	(pc) =	sbr.abs _section_cstart, $3  }
0x3e: {  	[dreg:$0x1] =	wrdreg $0xFFFFFFFF  }
0x3f: {  	_ =	task.clear_ibuf [dreg:s7], $0x2FFFF;
	_ =	strace $0x9FFFFFFF  }
0x40: {  	(tm) =	ssettm $0x7FFFFFFF  }
0x41: {  	_ =	shalt  }
tec
execute0_lowered:
.L_overlay_start_1:
0x0: {  	(tag) =	ssettag $0x1  }
0x1: {  	s3 =	rddreg [dreg:$0x0];
	s0 =	stileid.u32  }
0x2: {  	s1 =	srdreg.scid;
	s2 =	rddreg [dreg:$0x1];
	s6 =	simm.s32 $0x1  }
0x3: {  	s8 =	simm.s32 $0x2;
	s18 =	simm.s32 $0x0;
	p0 =	por $0x0, $0x0  }
0x4: {  	s9 =	simm.s32 $0x400;
	s19 =	simm.s32 $0x0;
	s17 =	simm.s32 $0x0  }
0x5: {  	s10 =	simm.s32 $0x0;
	s11 =	simm.s32 $0x0;
	s12 =	simm.s32 $0x0  }
0x6: {  	s15 =	simm.s32 $0x0;
	s4 =	sshll.u32 s0, $0x4;
	s5 =	sshll.u32 s1, $0x8  }
.Ltmp0:
0x7: {  	s16 =	simm.s32 $0x0;
	s4 =	sor.u32 s4, s5;
	(pc) =	sbr.rel .LBB1_1-.Ltmp0, $4  }
0x8: {  	s1 =	rddreg [dreg:$0x2];
	_ =	strace $0x80000047;
	s4 =	sand.u32 $0x180, s4  }
0x9: {  	s3 =	sadd.s32 $0x1000, s3;
	[sflag:s6] =	ssyncpa.u1 $0x0;
	s7 =	ssub.s32 $0x2700, s4  }
0xa: {  	s5 =	sand.u32 $0x7, s0;
	[sflag:s8] =	ssyncpa.u1 $0x0;
	s7 =	sshrl.u32 s7, $0x9  }
0xb: {  	s14 =	smov.u32 s5;
	s13 =	smov.u32 s4;
	s8 =	sadd.s32 $0x2, s7  }
.LBB1_5:
0xc: {  	p1 =	slt.u32 s16, $0x2;
	s20 =	smov.u32 s19;
	s22 =	smov.u32 s18  }
0xd: {  	p2 =	sgt.s32 @!p1 s18, $0x2690;
	p3 =	sgt.s32 @!p1 s19, $0x7;
	s21 =	sshra.s32 @!p1 s19, $0x1F  }
0xe: {  	p3 =	por !p3, p1;
	s19 =	sand.u32 @!p1 s21, s19;
	s21 =	sshra.s32 @!p1 s18, $0x1F  }
0xf: {  	p2 =	por !p2, p1;
	s20 =	simm.s32 @p3 $0x7;
	s18 =	sand.u32 @!p1 s21, s18  }
0x10: {  	s22 =	simm.s32 @p2 $0x2690;
	s21 =	ssub.s32 @!p1 $0x0, s17;
	s19 =	ssub.s32 @!p1 s20, s19  }
0x11: {  	s18 =	ssub.s32 @!p1 s22, s18;
	s17 =	smin.u32 @!p1 s17, s21;
	s20 =	sadd.s32 @!p1 $0xFFFFFFF9, s19  }
0x12: {  	s21 =	smov.u32 s14;
	s19 =	ssub.s32 @!p1 $0x8, s19;
	p2 =	sgt.s32 @!p1 s20, $0x0  }
0x13: {  	p3 =	sgt.s32 @!p1 s17, $0x7F;
	s17 =	ssub.s32 @!p1 $0x80, s17;
	p2 =	por !p2, p1  }
0x14: {  	s20 =	sadd.s32 @!p1 $0xFFFFD970, s18;
	s19 =	simm.s32 @!p2 $0x0;
	p2 =	por !p3, p1  }
0x15: {  	s18 =	ssub.s32 @!p1 $0x2710, s18;
	p3 =	sgt.s32 @!p1 s20, $0x7F;
	s17 =	simm.s32 @!p2 $0x0  }
0x16: {  	s20 =	sadd.s32 $0x200, s13;
	p2 =	por !p3, p1;
	s17 =	smul.u32 @!p1 s17, s19  }
0x17: {  	s18 =	simm.s32 @!p2 $0x0;
	p2 =	sgt.s32 s20, $0x270F;
	s19 =	sadd.s32 $0x8, s14  }
0x18: {  	s22 =	smov.u32 s15;
	s21 =	smov.u32 @p2 s19  }
0x19: {  	s17 =	smul.u32 @!p1 s18, s17;
	p3 =	sgt.s32 s21, $0x7;
	s18 =	sadd.s32 $0x80, s15  }
0x1a: {  	p0 =	por !p0, !p0;
	s23 =	simm.s32 @!p1 $0x2;
	s22 =	smov.u32 @p3 s18  }
0x1b: {  	s20 =	smov.u32 @p2 s4;
	s19 =	smov.u32 s11;
	p2 =	sgt.s32 s22, $0x7F  }
0x1c: {  	s11 =	smov.u32 s14;
	s22 =	simm.s32 @p2 $0x0;
	p2 =	sne.s32 s16, s8  }
.Ltmp1:
0x1d: {  	s21 =	smov.u32 @p3 s5;
	s18 =	smov.u32 s10;
	(pc) =	sbr.rel @!p2 .LBB1_6-.Ltmp1, $4  }
0x1e: {  	s10 =	smov.u32 s13;
	s13 =	smov.u32 s20;
	s17 =	sand.u32 @!p1 $0x3FFFFFFF, s17  }
0x1f: {  	s14 =	smov.u32 s21;
	_ =	swait.ge @!p1 [sflag:s23], s17;
	s24 =	ssub.s32 @!p1 $0x0, s17  }
0x20: {  	s17 =	smov.u32 s12;
	s16 =	sadd.s32 $0x1, s16;
	[sflag:s23] =	ssyncset.done @!p1 $0x0  }
0x21: {  	s12 =	smov.u32 s15;
	s15 =	smov.u32 s22;
	[sflag:s23] =	ssyncadd.s32 @!p1 s24  }
.LBB1_1:
0x22: {  	p1 =	sgt.u32 s16, s7  }
0x23: {  	s20 =	sshrl.u32 @!p1 s14, $0x3  }
0x24: {  	s21 =	sshll.u32 @!p1 s13, $0x3;
	s20 =	smul.u32 @!p1 $0x13C00, s20  }
0x25: {  	s22 =	sshll.u32 @!p1 s14, $0x7;
	s21 =	sand.u32 @!p1 $0xFFFFFC00, s21  }
0x26: {  	s20 =	sadd.s32 @!p1 s20, s21;
	s21 =	sand.u32 @!p1 $0x380, s22  }
0x27: {  	s22 =	sand.u32 @!p1 $0x7F, s13;
	s20 =	sor.u32 @!p1 s21, s20  }
0x28: {  	s21 =	sor.u32 @!p1 s22, s20  }
0x29: {  	s22 =	smulhi.u32 @!p1 $0xCF6474A9, s21  }
0x2a: {  	s20 =	smulhi.u32 @!p1 $0xCF6474A9, s20  }
0x2b: {  	s22 =	sshrl.u32 @!p1 s22, $0xD  }
0x2c: {  	s20 =	sshrl.u32 @!p1 s20, $0xD;
	s22 =	smul.u32 @!p1 $0x2780, s22  }
0x2d: {  	s23 =	sxor.u32 @!p1 $0xFFFFFFFF, s16;
	s24 =	smul.u32 @!p1 $0x2780, s15;
	s20 =	sand.u32 @!p1 $0x7, s20  }
0x2e: {  	s23 =	sshll.u32 @!p1 s23, $0xE;
	s20 =	smul.u32 @!p1 $0x4F0, s20;
	s21 =	ssub.s32 @!p1 s21, s22  }
0x2f: {  	s22 =	sand.u32 @!p1 $0x4000, s23;
	s23 =	sadd.s32 @!p1 s3, s24;
	s24 =	sand.u32 @!p1 $0x7, s21  }
0x30: {  	s21 =	sshrl.u32 @!p1 s21, $0x3;
	s20 =	sadd.s32 @!p1 s20, s23;
	s23 =	sshll.u32 @!p1 s24, $0x12  }
0x31: {  	s20 =	sadd.s32 @!p1 s21, s20;
	s21 =	sor.u32 @!p1 $0x80, s23;
	s23 =	simm.s32 @!p1 $0x13C00  }
0x32: {  	[tilespmem:s22], [sflag:$0x1] =	stream.strided.gather @!p1 [hbm4b:s20+s21], $0x4000, s23, s21, $0x38;
	[tilespmem:$0x10100] =	vst v63  }
0x33: {  	p1 =	seq.s32 s16, $0x0  }
0x34: {  	p2 =	sge.u32 @!p1 s16, s8  }
0x35: {  	p1 =	por p1, p2  }
.Ltmp2:
0x36: {  	_ = 	snop;
	(pc) =	sbr.rel @p1 .LBB1_5-.Ltmp2, $1  }
0x37: {  	_ =	sdelay $0x3  }
0x38: {  	s20 =	simm.s32 $0x1  }
0x39: {  	_ =	swait.ge [sflag:s6], $0x4000;
	s20 =	simm.s32 @!p0 $0x0  }
0x3a: {  	[sflag:s6] =	ssyncset.done $0x0;
	s21 =	sshll.u32 s20, $0xE  }
0x3b: {  	[sflag:s6] =	ssyncadd.s32 $0xFFFFC000;
	s21 =	sor.u32 $0x40, s21  }
0x3c: {  	s20 =	smul.u32 $0x10200, s20;
	v0 =	vld [tilespmem:s21+$0x30]  }
0x3d: {  	v1 =	vld [tilespmem:s21+$0xFFFFFFD0]  }
0x3e: {  	s20 =	sshrl.u32 s20, $0x2;
	v5 =	vld [tilespmem:s21+$0xFFFFFFE0]  }
0x3f: {  	v6 =	vld [tilespmem:s21+$0xFFFFFFF0];
	s23 =	sor.u32 $0x8000, s20  }
0x40: {  	s31 =	sand.u32 $0x1, s16;
	v4 =	vld [tilespmem:s21+$0x0];
	s22 =	sadd.s32 $0x0, s23  }
0x41: {  	v3 =	vld [tilespmem:s21+$0x10];
	s20 =	smul.u32 $0x10200, s31;
	[tilespmem:s22+$0x3870 ss:$0x81] =	vst.msk $0xffff, v0  }
0x42: {  	v2 =	vld [tilespmem:s21+$0x20];
	[tilespmem:s22+$0x810 ss:$0x81] =	vst.msk $0xffff, v1  }
0x43: {  	s20 =	sshrl.u32 s20, $0x2;
	v1 =	vld [tilespmem:s21+$0xFFFFFFC0];
	[tilespmem:s22+$0x1020 ss:$0x81] =	vst.msk $0xffff, v5;
	s21 =	sadd.s32 $0x80, s21  }
0x44: {  	s24 =	simm.s32 $0x4;
	s25 =	simm.s32 $0x8;
	s20 =	sor.u32 $0x8000, s20;
	[tilespmem:s22+$0x1830 ss:$0x81] =	vst.msk $0xffff, v6;
	v0 =	vld [tilespmem:s21+$0x30]  }
.LBB1_3:
0x45: {  	p1 =	sne.s32 s25, $0x1FC;
	v5 =	vld [tilespmem:s21+$0xFFFFFFD0];
	[tilespmem:s22+$0x2040 ss:$0x81] =	vst.msk $0xffff, v4  }
0x46: {  	v6 =	vld [tilespmem:s21+$0xFFFFFFE0];
	[tilespmem:s22+$0x2850 ss:$0x81] =	vst.msk $0xffff, v3  }
0x47: {  	s26 =	sshra.s32 s24, $0x2;
	s24 =	smov.u32 s25;
	v7 =	vld [tilespmem:s21+$0xFFFFFFF0];
	[tilespmem:s22+$0x3060 ss:$0x81] =	vst.msk $0xffff, v2  }
.Ltmp3:
0x48: {  	v4 =	vld [tilespmem:s21+$0x0];
	[tilespmem:s22+$0x0 ss:$0x81] =	vst.msk $0xffff, v1;
	s22 =	sadd.s32 s26, s23;
	(pc) =	sbr.rel @p1 .LBB1_3-.Ltmp3, $4  }
0x49: {  	v3 =	vld [tilespmem:s21+$0x10];
	[tilespmem:s22+$0x3870 ss:$0x81] =	vst.msk $0xffff, v0  }
0x4a: {  	[tilespmem:s22+$0x810 ss:$0x81] =	vst.msk $0xffff, v5;
	v2 =	vld [tilespmem:s21+$0x20]  }
0x4b: {  	v1 =	vld [tilespmem:s21+$0xFFFFFFC0];
	[tilespmem:s22+$0x1020 ss:$0x81] =	vst.msk $0xffff, v6;
	s21 =	sadd.s32 $0x80, s21  }
0x4c: {  	s25 =	sadd.s32 $0x4, s25;
	v0 =	vld [tilespmem:s21+$0x30];
	[tilespmem:s22+$0x1830 ss:$0x81] =	vst.msk $0xffff, v7  }
0x4d: {  	s24 =	sshra.s32 s24, $0x2;
	p1 =	sgt.s32 s11, $0x7;
	s25 =	sshra.s32 s11, $0x1F  }
0x4e: {  	p2 =	sgt.s32 s10, $0x2690;
	s26 =	smov.u32 s10;
	s27 =	sshra.s32 s10, $0x1F  }
0x4f: {  	v5 =	vld [tilespmem:s21+$0xFFFFFFD0];
	[tilespmem:s22+$0x2040 ss:$0x81] =	vst.msk $0xffff, v4;
	s28 =	ssub.s32 $0x0, s12;
	s23 =	sadd.s32 s24, s23;
	s24 =	smov.u32 s11  }
0x50: {  	v58 =	vld [tilespmem:s21+$0xFFFFFFE0];
	s25 =	sand.u32 s25, s11;
	[tilespmem:s22+$0x2850 ss:$0x81] =	vst.msk $0xffff, v3;
	s26 =	simm.s32 @!p2 $0x2690;
	s31 =	sand.u32 s27, s10  }
0x51: {  	v59 =	vld [tilespmem:s21+$0xFFFFFFF0];
	s27 =	sshrl.u32 s12, $0x3;
	s24 =	simm.s32 @!p1 $0x7;
	[tilespmem:s22+$0x3060 ss:$0x81] =	vst.msk $0xffff, v2;
	s30 =	ssub.s32 s26, s31  }
0x52: {  	v60 =	vld [tilespmem:s21+$0x0];
	s31 =	smin.u32 s12, s28;
	s28 =	sshll.u32 s11, $0x4;
	s24 =	ssub.s32 s24, s25;
	[tilespmem:s22+$0x0 ss:$0x81] =	vst.msk $0xffff, v1  }
0x53: {  	v61 =	vld [tilespmem:s21+$0x10];
	p2 =	sgt.s32 s31, $0x7F;
	s25 =	ssub.s32 $0x80, s31;
	s29 =	sadd.s32 $0xFFFFFFF9, s24;
	[tilespmem:s23+$0x3870 ss:$0x81] =	vst.msk $0xffff, v0  }
0x54: {  	v62 =	vld [tilespmem:s21+$0x20];
	s26 =	sadd.s32 $0xFFFFD970, s30;
	s24 =	ssub.s32 $0x8, s24;
	p1 =	sgt.s32 s29, $0x0;
	[tilespmem:s23+$0x810 ss:$0x81] =	vst.msk $0xffff, v5  }
0x55: {  	v63 =	vld [tilespmem:s21+$0xFFFFFFC0];
	s21 =	ssub.s32 $0x2710, s30;
	s25 =	simm.s32 @p2 $0x0;
	[tilespmem:s23+$0x1020 ss:$0x81] =	vst.msk $0xffff, v58;
	s24 =	simm.s32 @p1 $0x0  }
0x56: {  	s22 =	sand.u32 $0x70, s28;
	[tilespmem:s23+$0x1830 ss:$0x81] =	vst.msk $0xffff, v59;
	p1 =	sgt.s32 s26, $0x7F;
	s26 =	smul.u32 s25, s24  }
.Ltmp4:
0x57: {  	[tilespmem:s23+$0x2040 ss:$0x81] =	vst.msk $0xffff, v60;
	s21 =	simm.s32 @p1 $0x0;
	s24 =	sand.u32 $0xF, s27;
	(pc) =	sbr.rel .LBB1_5-.Ltmp4, $4  }
0x58: {  	[tilespmem:s23+$0x2850 ss:$0x81] =	vst.msk $0xffff, v61;
	s29 =	sand.u32 $0x7, s12;
	s24 =	sadd.s32 s2, s24;
	s21 =	smul.u32 s21, s26  }
0x59: {  	s30 =	sshll.u32 s10, $0x7;
	[tilespmem:s23+$0x3060 ss:$0x81] =	vst.msk $0xffff, v62;
	s25 =	sshll.u32 s29, $0x12;
	s22 =	sadd.s32 s22, s24  }
0x5a: {  	[tilespmem:s23+$0x0 ss:$0x81] =	vst.msk $0xffff, v63;
	s31 =	sor.u32 $0x80, s25;
	s22 =	sadd.s32 s30, s22;
	s21 =	sand.u32 $0x3FFFFFFF, s21  }
0x5b: {  	[hbm4b:s22+s31] =	stream.strided.scatter [tilespmem:s20], [sflag:$0x2], s21, s9, s31, $0x20;
	[tilespmem:$0x10100] =	vst v63  }
.LBB1_6:
0x5c: {  	_ =	sfence.sel $0x180000  }
0x5d: {  	s2 =	simm.s32 $0x1;
	[bflag:$0x0] =	sbarrier.arrive $0xFFFF  }
0x5e: {  	s31 =	simm.s32 $0x2;
	[sflag:s2] =	ssyncpa.u1 $0x1  }
0x5f: {  	[sflag:s31] =	ssyncpa.u1 $0x1  }
0x60: {  	p0 =	sne.s32 s0, $0x0;
	_ =	strace $0x90000047  }
0x61: {  	s0 =	sadd.s32 @!p0 $0x100000, s1;
	[bflag:$0x2] =	sbarrier.arrive $0xFFFF  }
0x62: {  	[sflag:s0] =	ssyncadd.tile.s32 @!p0 $0x1;
	_ =	shalt  }
.Lfunc_end1:
_tile_overlayer_lowered:
.L_overlay_start_2:
0x63: {  	(tag) =	ssettag $0x2  }
0x64: {  	s0 =	rddreg [dreg:$0x0];
	s2 =	stileid.u32  }
0x65: {  	s1 =	rddreg [dreg:$0x1];
	p0 =	sne.s32 s2, $0x0  }
0x66: {  	s3 =	rddreg [dreg:$0x2];
	[bflag:$0x3] =	sbarrier.arrive $0xFFFF;
	s2 =	simm.s32 @!p0 $0x1C01  }
0x67: {  	[timem:s3], [sflag:s2] =	dma.local @!p0 [hbm:s0], s1  }
0x68: {  	s0 =	simm.s32 @!p0 $0x1  }
0x69: {  	_ =	swait.ge @!p0 [sflag:s0], s1  }
0x6a: {  	s1 =	ssub.s32 @!p0 $0x0, s1;
	[sflag:s0] =	ssyncset.done @!p0 $0x0  }
0x6b: {  	[sflag:s0] =	ssyncadd.s32 @!p0 s1  }
0x6c: {  	[bflag:$0x3] =	sbarrier.arrive $0xFFFF  }
0x6d: {  	_ =	shalt  }

</sc_bundles>
